<compile_context>
chip_gen: v7x
topology: tpu7x:2x2x1
jax: 0.10.2.dev20260603
libtpu: 0.0.44.dev20260713+nightly
codegen_flags: <defaults>
</compile_context>

<pallas_src>
import functools

import jax
import jax.numpy as jnp
from jax import lax
from jax.experimental import pallas as pl
from jax.experimental.pallas import tpu as pltpu
from jax.experimental.pallas import tpu_sc as plsc

_STATE = 8
_DICT = 1024
_EMB = 32
_BATCH = 512
_ROWS = _BATCH * _STATE


def _vq_score_kernel(z_ref, emb_ref, idx_ref, gidx_ref, loss_ref):
    z_all = z_ref[...]
    loss_parts = []
    for s in range(_STATE):
        z = z_all[:, s * _EMB:(s + 1) * _EMB]
        e = emb_ref[s]
        en = jnp.sum(e * e, axis=1, keepdims=True)
        z_aug = jnp.concatenate(
            [z, jnp.ones((_BATCH, 1), jnp.float32),
             jnp.zeros((_BATCH, 128 - _EMB - 1), jnp.float32)], axis=1)
        e_aug = jnp.concatenate(
            [-2.0 * e, en,
             jnp.zeros((_DICT, 128 - _EMB - 1), jnp.float32)], axis=1)
        score = jax.lax.dot_general(
            z_aug, e_aug, (((1,), (1,)), ((), ())),
            preferred_element_type=jnp.float32,
            precision=jax.lax.Precision.HIGHEST)
        mins = jnp.min(score, axis=1, keepdims=True)
        kiota = jax.lax.broadcasted_iota(jnp.int32, (_BATCH, _DICT), 1)
        idx = jnp.min(jnp.where(score == mins, kiota, _DICT), axis=1)
        idx = idx.astype(jnp.int32)
        idx_ref[:, s:s + 1] = idx[:, None]
        gidx_ref[:, s:s + 1] = idx[:, None] + s * _DICT
        zn = jnp.sum(z * z, axis=1, keepdims=True)
        loss_parts.append(jnp.sum(mins + zn))
    total = loss_parts[0]
    for p in loss_parts[1:]:
        total = total + p
    loss_ref[...] = total / float(_BATCH * _STATE * _EMB)


_SC_INFO = plsc.get_sparse_core_info()
_NW = _SC_INFO.num_cores * _SC_INFO.num_subcores
_ROWS_PER_W = _ROWS // _NW
_B_PER_W = _BATCH // _NW


@functools.partial(
    pl.kernel,
    mesh=plsc.VectorSubcoreMesh(core_axis_name="c", subcore_axis_name="s"),
    out_type=jax.ShapeDtypeStruct((_ROWS, _EMB), jnp.float32),
    scratch_types=[
        pltpu.VMEM((_ROWS_PER_W,), jnp.int32),
        pltpu.VMEM((_ROWS_PER_W, _EMB), jnp.float32),
        pltpu.SemaphoreType.DMA,
    ],
    compiler_params=pltpu.CompilerParams(use_tc_tiling_on_sc=False),
)
def _sc_gather(table_hbm, gidx_hbm, out_hbm, idx_v, rows_v, sem):
    wid = lax.axis_index("s") * _SC_INFO.num_cores + lax.axis_index("c")
    base = wid * _ROWS_PER_W
    pltpu.sync_copy(gidx_hbm.at[pl.ds(base, _ROWS_PER_W)], idx_v)
    pltpu.async_copy(table_hbm.at[idx_v], rows_v, sem).wait()
    pltpu.sync_copy(rows_v, out_hbm.at[pl.ds(base, _ROWS_PER_W)])


def kernel(z, embedding, ema_cluster_size, ema_w):
    del ema_cluster_size, ema_w
    z_flat = z.reshape(_BATCH, _STATE * _EMB)
    indices, gidx_bs, loss = pl.pallas_call(
        _vq_score_kernel,
        out_shape=[
            jax.ShapeDtypeStruct((_BATCH, _STATE), jnp.int32),
            jax.ShapeDtypeStruct((_BATCH, _STATE), jnp.int32),
            jax.ShapeDtypeStruct((), jnp.float32),
        ],
        out_specs=[
            pl.BlockSpec(),
            pl.BlockSpec(),
            pl.BlockSpec(memory_space=pltpu.SMEM),
        ],
    )(z_flat, embedding)
    table = embedding.reshape(_STATE * _DICT, _EMB)
    gidx = gidx_bs.reshape(_ROWS)
    z_q_st = _sc_gather(table, gidx).reshape(_BATCH, _STATE, _EMB)
    return (z_q_st, loss, indices)

# --- scband reference (transcript-rebuilt; emitter-appended) ---
"""Pipeline reference for scband-emamulti-codebook-quantizer-27315992003197 (READ-ONLY COPY).

The authoritative reference and input builder live on the scoring server;
editing this copy changes nothing except your own understanding.
"""

import jax, jax.numpy as jnp
import numpy as np

STATE_SIZE = 8
DICT_SIZE = 1024
EMB_DIM = 32
BATCH = 512
DECAY = 0.99
EPS = 1e-05


def setup_inputs(seed: int = 0) -> dict:
    key = jax.random.key(seed)
    k1, k2, k3 = jax.random.split(key, 3)
    z = jax.random.normal(k1, (BATCH, STATE_SIZE, EMB_DIM), dtype=jnp.float32)
    embedding = jax.random.normal(k2, (STATE_SIZE, DICT_SIZE, EMB_DIM), dtype=jnp.float32)
    ema_cluster_size = jnp.zeros((STATE_SIZE, DICT_SIZE), dtype=jnp.float32)
    ema_w = jax.random.normal(k3, (STATE_SIZE, DICT_SIZE, EMB_DIM), dtype=jnp.float32)
    return {"z": z, "embedding": embedding, "ema_cluster_size": ema_cluster_size, "ema_w": ema_w}


def reference(z, embedding, ema_cluster_size, ema_w):
    batch, state_size, emb_dim = z.shape
    dict_size = embedding.shape[1]
    # pairwise squared distances: [B, S, K]
    z_exp = z[:, :, None, :]
    emb_exp = embedding[None, :, :, :]
    dist = jnp.sum((z_exp - emb_exp) ** 2, axis=-1)
    indices = jnp.argmin(dist, axis=-1)  # [B, S]
    # gather codes: embedding[s, indices[b, s]] -> [B, S, D]
    s_idx = jnp.arange(state_size)[None, :]
    z_q = embedding[s_idx, indices]
    # EMA codebook update (training=True path)
    one_hot = jax.nn.one_hot(indices, dict_size, dtype=jnp.float32)  # [B, S, K]
    cluster_size = one_hot.sum(axis=0)  # [S, K]
    dw = jnp.einsum('bsk,bsd->skd', one_hot, z)  # [S, K, D]
    new_ema_cluster_size = DECAY * ema_cluster_size + (1.0 - DECAY) * cluster_size
    new_ema_w = DECAY * ema_w + (1.0 - DECAY) * dw
    n = new_ema_cluster_size.sum(axis=-1, keepdims=True)
    cs = (new_ema_cluster_size + EPS) / (n + dict_size * EPS) * n
    new_embedding = new_ema_w / cs[..., None]  # updated codebook (side-effect in torch)
    del new_embedding
    # commitment loss with detached codes
    loss = jnp.mean((jax.lax.stop_gradient(z_q) - z) ** 2)
    # straight-through estimator
    z_q_st = z + jax.lax.stop_gradient(z_q - z)
    return (z_q_st, loss, indices)

if __name__ == "__main__":
    import jax
    _d = setup_inputs()
    print(jax.jit(kernel)(*tuple(_d.values())))

</pallas_src>

<mosaic_0001>
#map = affine_map<(d0, d1) -> (0, 0)>
#map1 = affine_map<(d0, d1) -> (0)>
module attributes {stable_mosaic.version = 14 : i64} {
  func.func @_sc_gather(%arg0: i32, %arg1: i32, %arg2: memref<8192x32xf32, #tpu.memory_space<hbm>>, %arg3: memref<4096xi32, #tpu.memory_space<hbm>>, %arg4: memref<4096x32xf32, #tpu.memory_space<hbm>>, %arg5: memref<128xi32, #tpu.memory_space<vmem>>, %arg6: memref<128x32xf32, #tpu.memory_space<vmem>>, %arg7: memref<!tpu.dma_semaphore, #tpu.memory_space<semaphore_mem>>) attributes {dimension_semantics = [#tpu.dimension_semantics<core_parallel>, #tpu.dimension_semantics<subcore_parallel>], iteration_bounds = array<i64: 2, 16>, scalar_prefetch = 0 : i64, scratch_operands = 3 : i64, tpu.core_type = #tpu.core_type<sc_vector_subcore>, window_params = [{transform_indices = #map}, {transform_indices = #map1}, {transform_indices = #map}]} {
    %mul3A = arith.constant 2 : i32
    %mul3A_0 = arith.muli %arg1, %mul3A : i32
    %add3A = arith.addi %mul3A_0, %arg0 : i32
    %mul3A_1 = arith.constant 128 : i32
    %mul3A_2 = arith.muli %add3A, %mul3A_1 : i32
    "tpu.region"() ({
      %run_scoped3A = tpu.sem_alloc : memref<!tpu.dma_semaphore, #tpu.memory_space<semaphore_mem>>
      %dma_start3A_7 = tpu.memref_slice %arg3[%mul3A_2] : memref<4096xi32, #tpu.memory_space<hbm>> -> memref<128xi32, #tpu.memory_space<hbm>>
      %dma_start3A_8 = tpu.memref_slice %arg3[%mul3A_2] : memref<4096xi32, #tpu.memory_space<hbm>> -> memref<128xi32, #tpu.memory_space<hbm>>
      tpu.enqueue_dma source(%dma_start3A_8 : memref<128xi32, #tpu.memory_space<hbm>>) target(%arg5 : memref<128xi32, #tpu.memory_space<vmem>>) target_semaphore(%run_scoped3A : memref<!tpu.dma_semaphore, #tpu.memory_space<semaphore_mem>>)
      %dma_wait3A_9 = tpu.memref_slice %arg3[%mul3A_2] : memref<4096xi32, #tpu.memory_space<hbm>> -> memref<128xi32, #tpu.memory_space<hbm>>
      %dma_wait3A_10 = tpu.memref_slice %arg3[%mul3A_2] : memref<4096xi32, #tpu.memory_space<hbm>> -> memref<128xi32, #tpu.memory_space<hbm>>
      tpu.wait_dma2 semaphore(%run_scoped3A : memref<!tpu.dma_semaphore, #tpu.memory_space<semaphore_mem>>) src(%dma_wait3A_10 : memref<128xi32, #tpu.memory_space<hbm>>) dst(%arg5 : memref<128xi32, #tpu.memory_space<vmem>>)
      tpu.yield
    }) : () -> ()
    %dma_start3A = arith.constant 0 : i32
    %dma_start3A_3 = arith.constant 0 : i32
    %dma_start3A_4 = tpu.memref_slice %arg2[%dma_start3A, %dma_start3A_3] : memref<8192x32xf32, #tpu.memory_space<hbm>> -> memref<8192x32xf32, #tpu.memory_space<hbm>>
    tpu.enqueue_indirect_dma source(%dma_start3A_4 : memref<8192x32xf32, #tpu.memory_space<hbm>>) target(%arg6 : memref<128x32xf32, #tpu.memory_space<vmem>>) offsets(%arg5 : memref<128xi32, #tpu.memory_space<vmem>>) semaphore(%arg7 : memref<!tpu.dma_semaphore, #tpu.memory_space<semaphore_mem>>)
    %dma_wait3A = arith.constant 0 : i32
    %dma_wait3A_5 = arith.constant 0 : i32
    %dma_wait3A_6 = tpu.memref_slice %arg2[%dma_wait3A, %dma_wait3A_5] : memref<8192x32xf32, #tpu.memory_space<hbm>> -> memref<8192x32xf32, #tpu.memory_space<hbm>>
    tpu.wait_indirect_dma semaphore(%arg7 : memref<!tpu.dma_semaphore, #tpu.memory_space<semaphore_mem>>) src(%dma_wait3A_6 : memref<8192x32xf32, #tpu.memory_space<hbm>>) dst(%arg6 : memref<128x32xf32, #tpu.memory_space<vmem>>)
    "tpu.region"() ({
      %run_scoped3A = tpu.sem_alloc : memref<!tpu.dma_semaphore, #tpu.memory_space<semaphore_mem>>
      %dma_start3A_7 = arith.constant 0 : i32
      %dma_start3A_8 = tpu.memref_slice %arg4[%mul3A_2, %dma_start3A_7] : memref<4096x32xf32, #tpu.memory_space<hbm>> -> memref<128x32xf32, #tpu.memory_space<hbm>>
      %dma_start3A_9 = arith.constant 0 : i32
      %dma_start3A_10 = tpu.memref_slice %arg4[%mul3A_2, %dma_start3A_9] : memref<4096x32xf32, #tpu.memory_space<hbm>> -> memref<128x32xf32, #tpu.memory_space<hbm>>
      tpu.enqueue_dma source(%arg6 : memref<128x32xf32, #tpu.memory_space<vmem>>) target(%dma_start3A_10 : memref<128x32xf32, #tpu.memory_space<hbm>>) target_semaphore(%run_scoped3A : memref<!tpu.dma_semaphore, #tpu.memory_space<semaphore_mem>>)
      %dma_wait3A_11 = arith.constant 0 : i32
      %dma_wait3A_12 = tpu.memref_slice %arg4[%mul3A_2, %dma_wait3A_11] : memref<4096x32xf32, #tpu.memory_space<hbm>> -> memref<128x32xf32, #tpu.memory_space<hbm>>
      %dma_wait3A_13 = arith.constant 0 : i32
      %dma_wait3A_14 = tpu.memref_slice %arg4[%mul3A_2, %dma_wait3A_13] : memref<4096x32xf32, #tpu.memory_space<hbm>> -> memref<128x32xf32, #tpu.memory_space<hbm>>
      tpu.wait_dma2 semaphore(%run_scoped3A : memref<!tpu.dma_semaphore, #tpu.memory_space<semaphore_mem>>) src(%arg6 : memref<128x32xf32, #tpu.memory_space<vmem>>) dst(%dma_wait3A_14 : memref<128x32xf32, #tpu.memory_space<hbm>>)
      tpu.yield
    }) : () -> ()
    return
  }
}

module attributes {stable_mosaic.version = 14 : i64} {
  func.func @_vq_score_kernel(%arg0: memref<512x256xf32, #tpu.memory_space<vmem>>, %arg1: memref<8x1024x32xf32, #tpu.memory_space<vmem>>, %arg2: memref<512x8xi32, #tpu.memory_space<vmem>>, %arg3: memref<512x8xi32, #tpu.memory_space<vmem>>, %arg4: memref<f32, #tpu.memory_space<smem>>) attributes {dimension_semantics = [], scalar_prefetch = 0 : i64, scratch_operands = 0 : i64, tpu.core_type = #tpu.core_type<tc>} {
    %get3A = arith.constant 0 : index
    %get3A_0 = arith.constant 0 : index
    %get3A_1 = vector.load %arg0[%get3A, %get3A_0] : memref<512x256xf32, #tpu.memory_space<vmem>>, vector<512x256xf32>
    %slice3A = vector.extract_strided_slice %get3A_1 {offsets = [0, 0], sizes = [512, 32], strides = [1, 1]} : vector<512x256xf32> to vector<512x32xf32>
    %get3A_2 = arith.constant 0 : index
    %get3A_3 = arith.constant 0 : index
    %get3A_4 = arith.constant 0 : index
    %get3A_5 = vector.load %arg1[%get3A_2, %get3A_3, %get3A_4] : memref<8x1024x32xf32, #tpu.memory_space<vmem>>, vector<1x1024x32xf32>
    %get3A_6 = vector.shape_cast %get3A_5 : vector<1x1024x32xf32> to vector<1024x32xf32>
    %mul3A = arith.mulf %get3A_6, %get3A_6 : vector<1024x32xf32>
    %reduce_sum3A = arith.constant dense<0.000000e+00> : vector<1024xf32>
    %reduce_sum3A_7 = vector.multi_reduction <add>, %mul3A, %reduce_sum3A [1] : vector<1024x32xf32> to vector<1024xf32>
    %broadcast_in_dim3A = vector.shape_cast %reduce_sum3A_7 : vector<1024xf32> to vector<1024x1xf32>
    %broadcast_in_dim3A_8 = arith.constant 1.000000e+00 : f32
    %broadcast_in_dim3A_9 = vector.broadcast %broadcast_in_dim3A_8 : f32 to vector<512x1xf32>
    %broadcast_in_dim3A_10 = arith.constant 0.000000e+00 : f32
    %broadcast_in_dim3A_11 = vector.broadcast %broadcast_in_dim3A_10 : f32 to vector<512x95xf32>
    %concatenate3A = tpu.concatenate %slice3A, %broadcast_in_dim3A_9, %broadcast_in_dim3A_11 in 1 : vector<512x32xf32>, vector<512x1xf32>, vector<512x95xf32> -> vector<512x128xf32>
    %mul3A_12 = arith.constant -2.000000e+00 : f32
    %mul3A_13 = vector.broadcast %mul3A_12 : f32 to vector<1024x32xf32>
    %mul3A_14 = arith.mulf %mul3A_13, %get3A_6 : vector<1024x32xf32>
    %broadcast_in_dim3A_15 = arith.constant 0.000000e+00 : f32
    %broadcast_in_dim3A_16 = vector.broadcast %broadcast_in_dim3A_15 : f32 to vector<1024x95xf32>
    %concatenate3A_17 = tpu.concatenate %mul3A_14, %broadcast_in_dim3A, %broadcast_in_dim3A_16 in 1 : vector<1024x32xf32>, vector<1024x1xf32>, vector<1024x95xf32> -> vector<1024x128xf32>
    %dot_general3A = arith.constant dense<0.000000e+00> : vector<512x1024xf32>
    %dot_general3A_18 = tpu.matmul %concatenate3A, %concatenate3A_17, %dot_general3A {dimension_numbers = #tpu.dot_dimension_numbers<[1], [1], [0], [0], [0, 0, 1, 0], [], []>, precision = #tpu.contract_precision<fp32>, transpose_lhs_hint = false} : vector<512x128xf32>, vector<1024x128xf32>, vector<512x1024xf32> -> vector<512x1024xf32>
    %reduce_min3A = arith.constant dense<0x7F800000> : vector<512xf32>
    %reduce_min3A_19 = vector.multi_reduction <minimumf>, %dot_general3A_18, %reduce_min3A [1] : vector<512x1024xf32> to vector<512xf32>
    %broadcast_in_dim3A_20 = vector.shape_cast %reduce_min3A_19 : vector<512xf32> to vector<512x1xf32>
    %iota3A = tpu.iota {dimensions = array<i32: 1>} : vector<512x1024xi32>
    %eq3A = vector.broadcast %broadcast_in_dim3A_20 : vector<512x1xf32> to vector<512x1024xf32>
    %eq3A_21 = arith.cmpf oeq, %dot_general3A_18, %eq3A : vector<512x1024xf32>
    %jit3A = arith.constant 1024 : i32
    %broadcast_in_dim3A_22 = vector.broadcast %jit3A : i32 to vector<512x1024xi32>
    %select_n3A = arith.select %eq3A_21, %iota3A, %broadcast_in_dim3A_22 : vector<512x1024xi1>, vector<512x1024xi32>
    %reduce_min3A_23 = arith.constant dense<2147483647> : vector<512xi32>
    %reduce_min3A_24 = vector.multi_reduction <minsi>, %select_n3A, %reduce_min3A_23 [1] : vector<512x1024xi32> to vector<512xi32>
    %broadcast_in_dim3A_25 = vector.shape_cast %reduce_min3A_24 : vector<512xi32> to vector<512x1xi32>
    %swap3A = arith.constant 0 : index
    %swap3A_26 = arith.constant 0 : index
    %swap3A_27 = vector.load %arg2[%swap3A, %swap3A_26] : memref<512x8xi32, #tpu.memory_space<vmem>>, vector<512x1xi32>
    tpu.vector_store %arg2[%swap3A, %swap3A_26], %broadcast_in_dim3A_25 {strides = array<i32>} : memref<512x8xi32, #tpu.memory_space<vmem>>, vector<512x1xi32>,
    %broadcast_in_dim3A_28 = vector.shape_cast %reduce_min3A_24 : vector<512xi32> to vector<512x1xi32>
    %add3A = arith.constant 0 : i32
    %add3A_29 = vector.broadcast %add3A : i32 to vector<512x1xi32>
    %add3A_30 = arith.addi %broadcast_in_dim3A_28, %add3A_29 : vector<512x1xi32>
    %swap3A_31 = arith.constant 0 : index
    %swap3A_32 = arith.constant 0 : index
    %swap3A_33 = vector.load %arg3[%swap3A_31, %swap3A_32] : memref<512x8xi32, #tpu.memory_space<vmem>>, vector<512x1xi32>
    tpu.vector_store %arg3[%swap3A_31, %swap3A_32], %add3A_30 {strides = array<i32>} : memref<512x8xi32, #tpu.memory_space<vmem>>, vector<512x1xi32>,
    %mul3A_34 = arith.mulf %slice3A, %slice3A : vector<512x32xf32>
    %reduce_sum3A_35 = arith.constant dense<0.000000e+00> : vector<512xf32>
    %reduce_sum3A_36 = vector.multi_reduction <add>, %mul3A_34, %reduce_sum3A_35 [1] : vector<512x32xf32> to vector<512xf32>
    %broadcast_in_dim3A_37 = vector.shape_cast %reduce_sum3A_36 : vector<512xf32> to vector<512x1xf32>
    %add3A_38 = arith.addf %broadcast_in_dim3A_20, %broadcast_in_dim3A_37 : vector<512x1xf32>
    %reduce_sum3A_39 = vector.shape_cast %add3A_38 : vector<512x1xf32> to vector<1x512x1xf32>
    %reduce_sum3A_40 = arith.constant dense<0.000000e+00> : vector<1xf32>
    %reduce_sum3A_41 = vector.multi_reduction <add>, %reduce_sum3A_39, %reduce_sum3A_40 [1, 2] : vector<1x512x1xf32> to vector<1xf32>
    %reduce_sum3A_42 = vector.shape_cast %reduce_sum3A_41 : vector<1xf32> to vector<1x1x1xf32>
    %reduce_sum3A_43 = vector.extract %reduce_sum3A_42[0, 0, 0] : f32 from vector<1x1x1xf32>
    %slice3A_44 = vector.extract_strided_slice %get3A_1 {offsets = [0, 32], sizes = [512, 32], strides = [1, 1]} : vector<512x256xf32> to vector<512x32xf32>
    %get3A_45 = arith.constant 1 : index
    %get3A_46 = arith.constant 0 : index
    %get3A_47 = arith.constant 0 : index
    %get3A_48 = vector.load %arg1[%get3A_45, %get3A_46, %get3A_47] : memref<8x1024x32xf32, #tpu.memory_space<vmem>>, vector<1x1024x32xf32>
    %get3A_49 = vector.shape_cast %get3A_48 : vector<1x1024x32xf32> to vector<1024x32xf32>
    %mul3A_50 = arith.mulf %get3A_49, %get3A_49 : vector<1024x32xf32>
    %reduce_sum3A_51 = arith.constant dense<0.000000e+00> : vector<1024xf32>
    %reduce_sum3A_52 = vector.multi_reduction <add>, %mul3A_50, %reduce_sum3A_51 [1] : vector<1024x32xf32> to vector<1024xf32>
    %broadcast_in_dim3A_53 = vector.shape_cast %reduce_sum3A_52 : vector<1024xf32> to vector<1024x1xf32>
    %broadcast_in_dim3A_54 = arith.constant 1.000000e+00 : f32
    %broadcast_in_dim3A_55 = vector.broadcast %broadcast_in_dim3A_54 : f32 to vector<512x1xf32>
    %broadcast_in_dim3A_56 = arith.constant 0.000000e+00 : f32
    %broadcast_in_dim3A_57 = vector.broadcast %broadcast_in_dim3A_56 : f32 to vector<512x95xf32>
    %concatenate3A_58 = tpu.concatenate %slice3A_44, %broadcast_in_dim3A_55, %broadcast_in_dim3A_57 in 1 : vector<512x32xf32>, vector<512x1xf32>, vector<512x95xf32> -> vector<512x128xf32>
    %mul3A_59 = arith.constant -2.000000e+00 : f32
    %mul3A_60 = vector.broadcast %mul3A_59 : f32 to vector<1024x32xf32>
    %mul3A_61 = arith.mulf %mul3A_60, %get3A_49 : vector<1024x32xf32>
    %broadcast_in_dim3A_62 = arith.constant 0.000000e+00 : f32
    %broadcast_in_dim3A_63 = vector.broadcast %broadcast_in_dim3A_62 : f32 to vector<1024x95xf32>
    %concatenate3A_64 = tpu.concatenate %mul3A_61, %broadcast_in_dim3A_53, %broadcast_in_dim3A_63 in 1 : vector<1024x32xf32>, vector<1024x1xf32>, vector<1024x95xf32> -> vector<1024x128xf32>
    %dot_general3A_65 = arith.constant dense<0.000000e+00> : vector<512x1024xf32>
    %dot_general3A_66 = tpu.matmul %concatenate3A_58, %concatenate3A_64, %dot_general3A_65 {dimension_numbers = #tpu.dot_dimension_numbers<[1], [1], [0], [0], [0, 0, 1, 0], [], []>, precision = #tpu.contract_precision<fp32>, transpose_lhs_hint = false} : vector<512x128xf32>, vector<1024x128xf32>, vector<512x1024xf32> -> vector<512x1024xf32>
    %reduce_min3A_67 = arith.constant dense<0x7F800000> : vector<512xf32>
    %reduce_min3A_68 = vector.multi_reduction <minimumf>, %dot_general3A_66, %reduce_min3A_67 [1] : vector<512x1024xf32> to vector<512xf32>
    %broadcast_in_dim3A_69 = vector.shape_cast %reduce_min3A_68 : vector<512xf32> to vector<512x1xf32>
    %iota3A_70 = tpu.iota {dimensions = array<i32: 1>} : vector<512x1024xi32>
    %eq3A_71 = vector.broadcast %broadcast_in_dim3A_69 : vector<512x1xf32> to vector<512x1024xf32>
    %eq3A_72 = arith.cmpf oeq, %dot_general3A_66, %eq3A_71 : vector<512x1024xf32>
    %jit3A_73 = arith.constant 1024 : i32
    %broadcast_in_dim3A_74 = vector.broadcast %jit3A_73 : i32 to vector<512x1024xi32>
    %select_n3A_75 = arith.select %eq3A_72, %iota3A_70, %broadcast_in_dim3A_74 : vector<512x1024xi1>, vector<512x1024xi32>
    %reduce_min3A_76 = arith.constant dense<2147483647> : vector<512xi32>
    %reduce_min3A_77 = vector.multi_reduction <minsi>, %select_n3A_75, %reduce_min3A_76 [1] : vector<512x1024xi32> to vector<512xi32>
    %broadcast_in_dim3A_78 = vector.shape_cast %reduce_min3A_77 : vector<512xi32> to vector<512x1xi32>
    %swap3A_79 = arith.constant 0 : index
    %swap3A_80 = arith.constant 1 : index
    %swap3A_81 = vector.load %arg2[%swap3A_79, %swap3A_80] : memref<512x8xi32, #tpu.memory_space<vmem>>, vector<512x1xi32>
    tpu.vector_store %arg2[%swap3A_79, %swap3A_80], %broadcast_in_dim3A_78 {strides = array<i32>} : memref<512x8xi32, #tpu.memory_space<vmem>>, vector<512x1xi32>,
    %broadcast_in_dim3A_82 = vector.shape_cast %reduce_min3A_77 : vector<512xi32> to vector<512x1xi32>
    %add3A_83 = arith.constant 1024 : i32
    %add3A_84 = vector.broadcast %add3A_83 : i32 to vector<512x1xi32>
    %add3A_85 = arith.addi %broadcast_in_dim3A_82, %add3A_84 : vector<512x1xi32>
    %swap3A_86 = arith.constant 0 : index
    %swap3A_87 = arith.constant 1 : index
    %swap3A_88 = vector.load %arg3[%swap3A_86, %swap3A_87] : memref<512x8xi32, #tpu.memory_space<vmem>>, vector<512x1xi32>
    tpu.vector_store %arg3[%swap3A_86, %swap3A_87], %add3A_85 {strides = array<i32>} : memref<512x8xi32, #tpu.memory_space<vmem>>, vector<512x1xi32>,
    %mul3A_89 = arith.mulf %slice3A_44, %slice3A_44 : vector<512x32xf32>
    %reduce_sum3A_90 = arith.constant dense<0.000000e+00> : vector<512xf32>
    %reduce_sum3A_91 = vector.multi_reduction <add>, %mul3A_89, %reduce_sum3A_90 [1] : vector<512x32xf32> to vector<512xf32>
    %broadcast_in_dim3A_92 = vector.shape_cast %reduce_sum3A_91 : vector<512xf32> to vector<512x1xf32>
    %add3A_93 = arith.addf %broadcast_in_dim3A_69, %broadcast_in_dim3A_92 : vector<512x1xf32>
    %reduce_sum3A_94 = vector.shape_cast %add3A_93 : vector<512x1xf32> to vector<1x512x1xf32>
    %reduce_sum3A_95 = arith.constant dense<0.000000e+00> : vector<1xf32>
    %reduce_sum3A_96 = vector.multi_reduction <add>, %reduce_sum3A_94, %reduce_sum3A_95 [1, 2] : vector<1x512x1xf32> to vector<1xf32>
    %reduce_sum3A_97 = vector.shape_cast %reduce_sum3A_96 : vector<1xf32> to vector<1x1x1xf32>
    %reduce_sum3A_98 = vector.extract %reduce_sum3A_97[0, 0, 0] : f32 from vector<1x1x1xf32>
    %slice3A_99 = vector.extract_strided_slice %get3A_1 {offsets = [0, 64], sizes = [512, 32], strides = [1, 1]} : vector<512x256xf32> to vector<512x32xf32>
    %get3A_100 = arith.constant 2 : index
    %get3A_101 = arith.constant 0 : index
    %get3A_102 = arith.constant 0 : index
    %get3A_103 = vector.load %arg1[%get3A_100, %get3A_101, %get3A_102] : memref<8x1024x32xf32, #tpu.memory_space<vmem>>, vector<1x1024x32xf32>
    %get3A_104 = vector.shape_cast %get3A_103 : vector<1x1024x32xf32> to vector<1024x32xf32>
    %mul3A_105 = arith.mulf %get3A_104, %get3A_104 : vector<1024x32xf32>
    %reduce_sum3A_106 = arith.constant dense<0.000000e+00> : vector<1024xf32>
    %reduce_sum3A_107 = vector.multi_reduction <add>, %mul3A_105, %reduce_sum3A_106 [1] : vector<1024x32xf32> to vector<1024xf32>
    %broadcast_in_dim3A_108 = vector.shape_cast %reduce_sum3A_107 : vector<1024xf32> to vector<1024x1xf32>
    %broadcast_in_dim3A_109 = arith.constant 1.000000e+00 : f32
    %broadcast_in_dim3A_110 = vector.broadcast %broadcast_in_dim3A_109 : f32 to vector<512x1xf32>
    %broadcast_in_dim3A_111 = arith.constant 0.000000e+00 : f32
    %broadcast_in_dim3A_112 = vector.broadcast %broadcast_in_dim3A_111 : f32 to vector<512x95xf32>
    %concatenate3A_113 = tpu.concatenate %slice3A_99, %broadcast_in_dim3A_110, %broadcast_in_dim3A_112 in 1 : vector<512x32xf32>, vector<512x1xf32>, vector<512x95xf32> -> vector<512x128xf32>
    %mul3A_114 = arith.constant -2.000000e+00 : f32
    %mul3A_115 = vector.broadcast %mul3A_114 : f32 to vector<1024x32xf32>
    %mul3A_116 = arith.mulf %mul3A_115, %get3A_104 : vector<1024x32xf32>
    %broadcast_in_dim3A_117 = arith.constant 0.000000e+00 : f32
    %broadcast_in_dim3A_118 = vector.broadcast %broadcast_in_dim3A_117 : f32 to vector<1024x95xf32>
    %concatenate3A_119 = tpu.concatenate %mul3A_116, %broadcast_in_dim3A_108, %broadcast_in_dim3A_118 in 1 : vector<1024x32xf32>, vector<1024x1xf32>, vector<1024x95xf32> -> vector<1024x128xf32>
    %dot_general3A_120 = arith.constant dense<0.000000e+00> : vector<512x1024xf32>
    %dot_general3A_121 = tpu.matmul %concatenate3A_113, %concatenate3A_119, %dot_general3A_120 {dimension_numbers = #tpu.dot_dimension_numbers<[1], [1], [0], [0], [0, 0, 1, 0], [], []>, precision = #tpu.contract_precision<fp32>, transpose_lhs_hint = false} : vector<512x128xf32>, vector<1024x128xf32>, vector<512x1024xf32> -> vector<512x1024xf32>
    %reduce_min3A_122 = arith.constant dense<0x7F800000> : vector<512xf32>
    %reduce_min3A_123 = vector.multi_reduction <minimumf>, %dot_general3A_121, %reduce_min3A_122 [1] : vector<512x1024xf32> to vector<512xf32>
    %broadcast_in_dim3A_124 = vector.shape_cast %reduce_min3A_123 : vector<512xf32> to vector<512x1xf32>
    %iota3A_125 = tpu.iota {dimensions = array<i32: 1>} : vector<512x1024xi32>
    %eq3A_126 = vector.broadcast %broadcast_in_dim3A_124 : vector<512x1xf32> to vector<512x1024xf32>
    %eq3A_127 = arith.cmpf oeq, %dot_general3A_121, %eq3A_126 : vector<512x1024xf32>
    %jit3A_128 = arith.constant 1024 : i32
    %broadcast_in_dim3A_129 = vector.broadcast %jit3A_128 : i32 to vector<512x1024xi32>
    %select_n3A_130 = arith.select %eq3A_127, %iota3A_125, %broadcast_in_dim3A_129 : vector<512x1024xi1>, vector<512x1024xi32>
    %reduce_min3A_131 = arith.constant dense<2147483647> : vector<512xi32>
    %reduce_min3A_132 = vector.multi_reduction <minsi>, %select_n3A_130, %reduce_min3A_131 [1] : vector<512x1024xi32> to vector<512xi32>
    %broadcast_in_dim3A_133 = vector.shape_cast %reduce_min3A_132 : vector<512xi32> to vector<512x1xi32>
    %swap3A_134 = arith.constant 0 : index
    %swap3A_135 = arith.constant 2 : index
    %swap3A_136 = vector.load %arg2[%swap3A_134, %swap3A_135] : memref<512x8xi32, #tpu.memory_space<vmem>>, vector<512x1xi32>
    tpu.vector_store %arg2[%swap3A_134, %swap3A_135], %broadcast_in_dim3A_133 {strides = array<i32>} : memref<512x8xi32, #tpu.memory_space<vmem>>, vector<512x1xi32>,
    %broadcast_in_dim3A_137 = vector.shape_cast %reduce_min3A_132 : vector<512xi32> to vector<512x1xi32>
    %add3A_138 = arith.constant 2048 : i32
    %add3A_139 = vector.broadcast %add3A_138 : i32 to vector<512x1xi32>
    %add3A_140 = arith.addi %broadcast_in_dim3A_137, %add3A_139 : vector<512x1xi32>
    %swap3A_141 = arith.constant 0 : index
    %swap3A_142 = arith.constant 2 : index
    %swap3A_143 = vector.load %arg3[%swap3A_141, %swap3A_142] : memref<512x8xi32, #tpu.memory_space<vmem>>, vector<512x1xi32>
    tpu.vector_store %arg3[%swap3A_141, %swap3A_142], %add3A_140 {strides = array<i32>} : memref<512x8xi32, #tpu.memory_space<vmem>>, vector<512x1xi32>,
    %mul3A_144 = arith.mulf %slice3A_99, %slice3A_99 : vector<512x32xf32>
    %reduce_sum3A_145 = arith.constant dense<0.000000e+00> : vector<512xf32>
    %reduce_sum3A_146 = vector.multi_reduction <add>, %mul3A_144, %reduce_sum3A_145 [1] : vector<512x32xf32> to vector<512xf32>
    %broadcast_in_dim3A_147 = vector.shape_cast %reduce_sum3A_146 : vector<512xf32> to vector<512x1xf32>
    %add3A_148 = arith.addf %broadcast_in_dim3A_124, %broadcast_in_dim3A_147 : vector<512x1xf32>
    %reduce_sum3A_149 = vector.shape_cast %add3A_148 : vector<512x1xf32> to vector<1x512x1xf32>
    %reduce_sum3A_150 = arith.constant dense<0.000000e+00> : vector<1xf32>
    %reduce_sum3A_151 = vector.multi_reduction <add>, %reduce_sum3A_149, %reduce_sum3A_150 [1, 2] : vector<1x512x1xf32> to vector<1xf32>
    %reduce_sum3A_152 = vector.shape_cast %reduce_sum3A_151 : vector<1xf32> to vector<1x1x1xf32>
    %reduce_sum3A_153 = vector.extract %reduce_sum3A_152[0, 0, 0] : f32 from vector<1x1x1xf32>
    %slice3A_154 = vector.extract_strided_slice %get3A_1 {offsets = [0, 96], sizes = [512, 32], strides = [1, 1]} : vector<512x256xf32> to vector<512x32xf32>
    %get3A_155 = arith.constant 3 : index
    %get3A_156 = arith.constant 0 : index
    %get3A_157 = arith.constant 0 : index
    %get3A_158 = vector.load %arg1[%get3A_155, %get3A_156, %get3A_157] : memref<8x1024x32xf32, #tpu.memory_space<vmem>>, vector<1x1024x32xf32>
    %get3A_159 = vector.shape_cast %get3A_158 : vector<1x1024x32xf32> to vector<1024x32xf32>
    %mul3A_160 = arith.mulf %get3A_159, %get3A_159 : vector<1024x32xf32>
    %reduce_sum3A_161 = arith.constant dense<0.000000e+00> : vector<1024xf32>
    %reduce_sum3A_162 = vector.multi_reduction <add>, %mul3A_160, %reduce_sum3A_161 [1] : vector<1024x32xf32> to vector<1024xf32>
    %broadcast_in_dim3A_163 = vector.shape_cast %reduce_sum3A_162 : vector<1024xf32> to vector<1024x1xf32>
    %broadcast_in_dim3A_164 = arith.constant 1.000000e+00 : f32
    %broadcast_in_dim3A_165 = vector.broadcast %broadcast_in_dim3A_164 : f32 to vector<512x1xf32>
    %broadcast_in_dim3A_166 = arith.constant 0.000000e+00 : f32
    %broadcast_in_dim3A_167 = vector.broadcast %broadcast_in_dim3A_166 : f32 to vector<512x95xf32>
    %concatenate3A_168 = tpu.concatenate %slice3A_154, %broadcast_in_dim3A_165, %broadcast_in_dim3A_167 in 1 : vector<512x32xf32>, vector<512x1xf32>, vector<512x95xf32> -> vector<512x128xf32>
    %mul3A_169 = arith.constant -2.000000e+00 : f32
    %mul3A_170 = vector.broadcast %mul3A_169 : f32 to vector<1024x32xf32>
    %mul3A_171 = arith.mulf %mul3A_170, %get3A_159 : vector<1024x32xf32>
    %broadcast_in_dim3A_172 = arith.constant 0.000000e+00 : f32
    %broadcast_in_dim3A_173 = vector.broadcast %broadcast_in_dim3A_172 : f32 to vector<1024x95xf32>
    %concatenate3A_174 = tpu.concatenate %mul3A_171, %broadcast_in_dim3A_163, %broadcast_in_dim3A_173 in 1 : vector<1024x32xf32>, vector<1024x1xf32>, vector<1024x95xf32> -> vector<1024x128xf32>
    %dot_general3A_175 = arith.constant dense<0.000000e+00> : vector<512x1024xf32>
    %dot_general3A_176 = tpu.matmul %concatenate3A_168, %concatenate3A_174, %dot_general3A_175 {dimension_numbers = #tpu.dot_dimension_numbers<[1], [1], [0], [0], [0, 0, 1, 0], [], []>, precision = #tpu.contract_precision<fp32>, transpose_lhs_hint = false} : vector<512x128xf32>, vector<1024x128xf32>, vector<512x1024xf32> -> vector<512x1024xf32>
    %reduce_min3A_177 = arith.constant dense<0x7F800000> : vector<512xf32>
    %reduce_min3A_178 = vector.multi_reduction <minimumf>, %dot_general3A_176, %reduce_min3A_177 [1] : vector<512x1024xf32> to vector<512xf32>
    %broadcast_in_dim3A_179 = vector.shape_cast %reduce_min3A_178 : vector<512xf32> to vector<512x1xf32>
    %iota3A_180 = tpu.iota {dimensions = array<i32: 1>} : vector<512x1024xi32>
    %eq3A_181 = vector.broadcast %broadcast_in_dim3A_179 : vector<512x1xf32> to vector<512x1024xf32>
    %eq3A_182 = arith.cmpf oeq, %dot_general3A_176, %eq3A_181 : vector<512x1024xf32>
    %jit3A_183 = arith.constant 1024 : i32
    %broadcast_in_dim3A_184 = vector.broadcast %jit3A_183 : i32 to vector<512x1024xi32>
    %select_n3A_185 = arith.select %eq3A_182, %iota3A_180, %broadcast_in_dim3A_184 : vector<512x1024xi1>, vector<512x1024xi32>
    %reduce_min3A_186 = arith.constant dense<2147483647> : vector<512xi32>
    %reduce_min3A_187 = vector.multi_reduction <minsi>, %select_n3A_185, %reduce_min3A_186 [1] : vector<512x1024xi32> to vector<512xi32>
    %broadcast_in_dim3A_188 = vector.shape_cast %reduce_min3A_187 : vector<512xi32> to vector<512x1xi32>
    %swap3A_189 = arith.constant 0 : index
    %swap3A_190 = arith.constant 3 : index
    %swap3A_191 = vector.load %arg2[%swap3A_189, %swap3A_190] : memref<512x8xi32, #tpu.memory_space<vmem>>, vector<512x1xi32>
    tpu.vector_store %arg2[%swap3A_189, %swap3A_190], %broadcast_in_dim3A_188 {strides = array<i32>} : memref<512x8xi32, #tpu.memory_space<vmem>>, vector<512x1xi32>,
    %broadcast_in_dim3A_192 = vector.shape_cast %reduce_min3A_187 : vector<512xi32> to vector<512x1xi32>
    %add3A_193 = arith.constant 3072 : i32
    %add3A_194 = vector.broadcast %add3A_193 : i32 to vector<512x1xi32>
    %add3A_195 = arith.addi %broadcast_in_dim3A_192, %add3A_194 : vector<512x1xi32>
    %swap3A_196 = arith.constant 0 : index
    %swap3A_197 = arith.constant 3 : index
    %swap3A_198 = vector.load %arg3[%swap3A_196, %swap3A_197] : memref<512x8xi32, #tpu.memory_space<vmem>>, vector<512x1xi32>
    tpu.vector_store %arg3[%swap3A_196, %swap3A_197], %add3A_195 {strides = array<i32>} : memref<512x8xi32, #tpu.memory_space<vmem>>, vector<512x1xi32>,
    %mul3A_199 = arith.mulf %slice3A_154, %slice3A_154 : vector<512x32xf32>
    %reduce_sum3A_200 = arith.constant dense<0.000000e+00> : vector<512xf32>
    %reduce_sum3A_201 = vector.multi_reduction <add>, %mul3A_199, %reduce_sum3A_200 [1] : vector<512x32xf32> to vector<512xf32>
    %broadcast_in_dim3A_202 = vector.shape_cast %reduce_sum3A_201 : vector<512xf32> to vector<512x1xf32>
    %add3A_203 = arith.addf %broadcast_in_dim3A_179, %broadcast_in_dim3A_202 : vector<512x1xf32>
    %reduce_sum3A_204 = vector.shape_cast %add3A_203 : vector<512x1xf32> to vector<1x512x1xf32>
    %reduce_sum3A_205 = arith.constant dense<0.000000e+00> : vector<1xf32>
    %reduce_sum3A_206 = vector.multi_reduction <add>, %reduce_sum3A_204, %reduce_sum3A_205 [1, 2] : vector<1x512x1xf32> to vector<1xf32>
    %reduce_sum3A_207 = vector.shape_cast %reduce_sum3A_206 : vector<1xf32> to vector<1x1x1xf32>
    %reduce_sum3A_208 = vector.extract %reduce_sum3A_207[0, 0, 0] : f32 from vector<1x1x1xf32>
    %slice3A_209 = vector.extract_strided_slice %get3A_1 {offsets = [0, 128], sizes = [512, 32], strides = [1, 1]} : vector<512x256xf32> to vector<512x32xf32>
    %get3A_210 = arith.constant 4 : index
    %get3A_211 = arith.constant 0 : index
    %get3A_212 = arith.constant 0 : index
    %get3A_213 = vector.load %arg1[%get3A_210, %get3A_211, %get3A_212] : memref<8x1024x32xf32, #tpu.memory_space<vmem>>, vector<1x1024x32xf32>
    %get3A_214 = vector.shape_cast %get3A_213 : vector<1x1024x32xf32> to vector<1024x32xf32>
    %mul3A_215 = arith.mulf %get3A_214, %get3A_214 : vector<1024x32xf32>
    %reduce_sum3A_216 = arith.constant dense<0.000000e+00> : vector<1024xf32>
    %reduce_sum3A_217 = vector.multi_reduction <add>, %mul3A_215, %reduce_sum3A_216 [1] : vector<1024x32xf32> to vector<1024xf32>
    %broadcast_in_dim3A_218 = vector.shape_cast %reduce_sum3A_217 : vector<1024xf32> to vector<1024x1xf32>
    %broadcast_in_dim3A_219 = arith.constant 1.000000e+00 : f32
    %broadcast_in_dim3A_220 = vector.broadcast %broadcast_in_dim3A_219 : f32 to vector<512x1xf32>
    %broadcast_in_dim3A_221 = arith.constant 0.000000e+00 : f32
    %broadcast_in_dim3A_222 = vector.broadcast %broadcast_in_dim3A_221 : f32 to vector<512x95xf32>
    %concatenate3A_223 = tpu.concatenate %slice3A_209, %broadcast_in_dim3A_220, %broadcast_in_dim3A_222 in 1 : vector<512x32xf32>, vector<512x1xf32>, vector<512x95xf32> -> vector<512x128xf32>
    %mul3A_224 = arith.constant -2.000000e+00 : f32
    %mul3A_225 = vector.broadcast %mul3A_224 : f32 to vector<1024x32xf32>
    %mul3A_226 = arith.mulf %mul3A_225, %get3A_214 : vector<1024x32xf32>
    %broadcast_in_dim3A_227 = arith.constant 0.000000e+00 : f32
    %broadcast_in_dim3A_228 = vector.broadcast %broadcast_in_dim3A_227 : f32 to vector<1024x95xf32>
    %concatenate3A_229 = tpu.concatenate %mul3A_226, %broadcast_in_dim3A_218, %broadcast_in_dim3A_228 in 1 : vector<1024x32xf32>, vector<1024x1xf32>, vector<1024x95xf32> -> vector<1024x128xf32>
    %dot_general3A_230 = arith.constant dense<0.000000e+00> : vector<512x1024xf32>
    %dot_general3A_231 = tpu.matmul %concatenate3A_223, %concatenate3A_229, %dot_general3A_230 {dimension_numbers = #tpu.dot_dimension_numbers<[1], [1], [0], [0], [0, 0, 1, 0], [], []>, precision = #tpu.contract_precision<fp32>, transpose_lhs_hint = false} : vector<512x128xf32>, vector<1024x128xf32>, vector<512x1024xf32> -> vector<512x1024xf32>
    %reduce_min3A_232 = arith.constant dense<0x7F800000> : vector<512xf32>
    %reduce_min3A_233 = vector.multi_reduction <minimumf>, %dot_general3A_231, %reduce_min3A_232 [1] : vector<512x1024xf32> to vector<512xf32>
    %broadcast_in_dim3A_234 = vector.shape_cast %reduce_min3A_233 : vector<512xf32> to vector<512x1xf32>
    %iota3A_235 = tpu.iota {dimensions = array<i32: 1>} : vector<512x1024xi32>
    %eq3A_236 = vector.broadcast %broadcast_in_dim3A_234 : vector<512x1xf32> to vector<512x1024xf32>
    %eq3A_237 = arith.cmpf oeq, %dot_general3A_231, %eq3A_236 : vector<512x1024xf32>
    %jit3A_238 = arith.constant 1024 : i32
    %broadcast_in_dim3A_239 = vector.broadcast %jit3A_238 : i32 to vector<512x1024xi32>
    %select_n3A_240 = arith.select %eq3A_237, %iota3A_235, %broadcast_in_dim3A_239 : vector<512x1024xi1>, vector<512x1024xi32>
    %reduce_min3A_241 = arith.constant dense<2147483647> : vector<512xi32>
    %reduce_min3A_242 = vector.multi_reduction <minsi>, %select_n3A_240, %reduce_min3A_241 [1] : vector<512x1024xi32> to vector<512xi32>
    %broadcast_in_dim3A_243 = vector.shape_cast %reduce_min3A_242 : vector<512xi32> to vector<512x1xi32>
    %swap3A_244 = arith.constant 0 : index
    %swap3A_245 = arith.constant 4 : index
    %swap3A_246 = vector.load %arg2[%swap3A_244, %swap3A_245] : memref<512x8xi32, #tpu.memory_space<vmem>>, vector<512x1xi32>
    tpu.vector_store %arg2[%swap3A_244, %swap3A_245], %broadcast_in_dim3A_243 {strides = array<i32>} : memref<512x8xi32, #tpu.memory_space<vmem>>, vector<512x1xi32>,
    %broadcast_in_dim3A_247 = vector.shape_cast %reduce_min3A_242 : vector<512xi32> to vector<512x1xi32>
    %add3A_248 = arith.constant 4096 : i32
    %add3A_249 = vector.broadcast %add3A_248 : i32 to vector<512x1xi32>
    %add3A_250 = arith.addi %broadcast_in_dim3A_247, %add3A_249 : vector<512x1xi32>
    %swap3A_251 = arith.constant 0 : index
    %swap3A_252 = arith.constant 4 : index
    %swap3A_253 = vector.load %arg3[%swap3A_251, %swap3A_252] : memref<512x8xi32, #tpu.memory_space<vmem>>, vector<512x1xi32>
    tpu.vector_store %arg3[%swap3A_251, %swap3A_252], %add3A_250 {strides = array<i32>} : memref<512x8xi32, #tpu.memory_space<vmem>>, vector<512x1xi32>,
    %mul3A_254 = arith.mulf %slice3A_209, %slice3A_209 : vector<512x32xf32>
    %reduce_sum3A_255 = arith.constant dense<0.000000e+00> : vector<512xf32>
    %reduce_sum3A_256 = vector.multi_reduction <add>, %mul3A_254, %reduce_sum3A_255 [1] : vector<512x32xf32> to vector<512xf32>
    %broadcast_in_dim3A_257 = vector.shape_cast %reduce_sum3A_256 : vector<512xf32> to vector<512x1xf32>
    %add3A_258 = arith.addf %broadcast_in_dim3A_234, %broadcast_in_dim3A_257 : vector<512x1xf32>
    %reduce_sum3A_259 = vector.shape_cast %add3A_258 : vector<512x1xf32> to vector<1x512x1xf32>
    %reduce_sum3A_260 = arith.constant dense<0.000000e+00> : vector<1xf32>
    %reduce_sum3A_261 = vector.multi_reduction <add>, %reduce_sum3A_259, %reduce_sum3A_260 [1, 2] : vector<1x512x1xf32> to vector<1xf32>
    %reduce_sum3A_262 = vector.shape_cast %reduce_sum3A_261 : vector<1xf32> to vector<1x1x1xf32>
    %reduce_sum3A_263 = vector.extract %reduce_sum3A_262[0, 0, 0] : f32 from vector<1x1x1xf32>
    %slice3A_264 = vector.extract_strided_slice %get3A_1 {offsets = [0, 160], sizes = [512, 32], strides = [1, 1]} : vector<512x256xf32> to vector<512x32xf32>
    %get3A_265 = arith.constant 5 : index
    %get3A_266 = arith.constant 0 : index
    %get3A_267 = arith.constant 0 : index
    %get3A_268 = vector.load %arg1[%get3A_265, %get3A_266, %get3A_267] : memref<8x1024x32xf32, #tpu.memory_space<vmem>>, vector<1x1024x32xf32>
    %get3A_269 = vector.shape_cast %get3A_268 : vector<1x1024x32xf32> to vector<1024x32xf32>
    %mul3A_270 = arith.mulf %get3A_269, %get3A_269 : vector<1024x32xf32>
    %reduce_sum3A_271 = arith.constant dense<0.000000e+00> : vector<1024xf32>
    %reduce_sum3A_272 = vector.multi_reduction <add>, %mul3A_270, %reduce_sum3A_271 [1] : vector<1024x32xf32> to vector<1024xf32>
    %broadcast_in_dim3A_273 = vector.shape_cast %reduce_sum3A_272 : vector<1024xf32> to vector<1024x1xf32>
    %broadcast_in_dim3A_274 = arith.constant 1.000000e+00 : f32
    %broadcast_in_dim3A_275 = vector.broadcast %broadcast_in_dim3A_274 : f32 to vector<512x1xf32>
    %broadcast_in_dim3A_276 = arith.constant 0.000000e+00 : f32
    %broadcast_in_dim3A_277 = vector.broadcast %broadcast_in_dim3A_276 : f32 to vector<512x95xf32>
    %concatenate3A_278 = tpu.concatenate %slice3A_264, %broadcast_in_dim3A_275, %broadcast_in_dim3A_277 in 1 : vector<512x32xf32>, vector<512x1xf32>, vector<512x95xf32> -> vector<512x128xf32>
    %mul3A_279 = arith.constant -2.000000e+00 : f32
    %mul3A_280 = vector.broadcast %mul3A_279 : f32 to vector<1024x32xf32>
    %mul3A_281 = arith.mulf %mul3A_280, %get3A_269 : vector<1024x32xf32>
    %broadcast_in_dim3A_282 = arith.constant 0.000000e+00 : f32
    %broadcast_in_dim3A_283 = vector.broadcast %broadcast_in_dim3A_282 : f32 to vector<1024x95xf32>
    %concatenate3A_284 = tpu.concatenate %mul3A_281, %broadcast_in_dim3A_273, %broadcast_in_dim3A_283 in 1 : vector<1024x32xf32>, vector<1024x1xf32>, vector<1024x95xf32> -> vector<1024x128xf32>
    %dot_general3A_285 = arith.constant dense<0.000000e+00> : vector<512x1024xf32>
    %dot_general3A_286 = tpu.matmul %concatenate3A_278, %concatenate3A_284, %dot_general3A_285 {dimension_numbers = #tpu.dot_dimension_numbers<[1], [1], [0], [0], [0, 0, 1, 0], [], []>, precision = #tpu.contract_precision<fp32>, transpose_lhs_hint = false} : vector<512x128xf32>, vector<1024x128xf32>, vector<512x1024xf32> -> vector<512x1024xf32>
    %reduce_min3A_287 = arith.constant dense<0x7F800000> : vector<512xf32>
    %reduce_min3A_288 = vector.multi_reduction <minimumf>, %dot_general3A_286, %reduce_min3A_287 [1] : vector<512x1024xf32> to vector<512xf32>
    %broadcast_in_dim3A_289 = vector.shape_cast %reduce_min3A_288 : vector<512xf32> to vector<512x1xf32>
    %iota3A_290 = tpu.iota {dimensions = array<i32: 1>} : vector<512x1024xi32>
    %eq3A_291 = vector.broadcast %broadcast_in_dim3A_289 : vector<512x1xf32> to vector<512x1024xf32>
    %eq3A_292 = arith.cmpf oeq, %dot_general3A_286, %eq3A_291 : vector<512x1024xf32>
    %jit3A_293 = arith.constant 1024 : i32
    %broadcast_in_dim3A_294 = vector.broadcast %jit3A_293 : i32 to vector<512x1024xi32>
    %select_n3A_295 = arith.select %eq3A_292, %iota3A_290, %broadcast_in_dim3A_294 : vector<512x1024xi1>, vector<512x1024xi32>
    %reduce_min3A_296 = arith.constant dense<2147483647> : vector<512xi32>
    %reduce_min3A_297 = vector.multi_reduction <minsi>, %select_n3A_295, %reduce_min3A_296 [1] : vector<512x1024xi32> to vector<512xi32>
    %broadcast_in_dim3A_298 = vector.shape_cast %reduce_min3A_297 : vector<512xi32> to vector<512x1xi32>
    %swap3A_299 = arith.constant 0 : index
    %swap3A_300 = arith.constant 5 : index
    %swap3A_301 = vector.load %arg2[%swap3A_299, %swap3A_300] : memref<512x8xi32, #tpu.memory_space<vmem>>, vector<512x1xi32>
    tpu.vector_store %arg2[%swap3A_299, %swap3A_300], %broadcast_in_dim3A_298 {strides = array<i32>} : memref<512x8xi32, #tpu.memory_space<vmem>>, vector<512x1xi32>,
    %broadcast_in_dim3A_302 = vector.shape_cast %reduce_min3A_297 : vector<512xi32> to vector<512x1xi32>
    %add3A_303 = arith.constant 5120 : i32
    %add3A_304 = vector.broadcast %add3A_303 : i32 to vector<512x1xi32>
    %add3A_305 = arith.addi %broadcast_in_dim3A_302, %add3A_304 : vector<512x1xi32>
    %swap3A_306 = arith.constant 0 : index
    %swap3A_307 = arith.constant 5 : index
    %swap3A_308 = vector.load %arg3[%swap3A_306, %swap3A_307] : memref<512x8xi32, #tpu.memory_space<vmem>>, vector<512x1xi32>
    tpu.vector_store %arg3[%swap3A_306, %swap3A_307], %add3A_305 {strides = array<i32>} : memref<512x8xi32, #tpu.memory_space<vmem>>, vector<512x1xi32>,
    %mul3A_309 = arith.mulf %slice3A_264, %slice3A_264 : vector<512x32xf32>
    %reduce_sum3A_310 = arith.constant dense<0.000000e+00> : vector<512xf32>
    %reduce_sum3A_311 = vector.multi_reduction <add>, %mul3A_309, %reduce_sum3A_310 [1] : vector<512x32xf32> to vector<512xf32>
    %broadcast_in_dim3A_312 = vector.shape_cast %reduce_sum3A_311 : vector<512xf32> to vector<512x1xf32>
    %add3A_313 = arith.addf %broadcast_in_dim3A_289, %broadcast_in_dim3A_312 : vector<512x1xf32>
    %reduce_sum3A_314 = vector.shape_cast %add3A_313 : vector<512x1xf32> to vector<1x512x1xf32>
    %reduce_sum3A_315 = arith.constant dense<0.000000e+00> : vector<1xf32>
    %reduce_sum3A_316 = vector.multi_reduction <add>, %reduce_sum3A_314, %reduce_sum3A_315 [1, 2] : vector<1x512x1xf32> to vector<1xf32>
    %reduce_sum3A_317 = vector.shape_cast %reduce_sum3A_316 : vector<1xf32> to vector<1x1x1xf32>
    %reduce_sum3A_318 = vector.extract %reduce_sum3A_317[0, 0, 0] : f32 from vector<1x1x1xf32>
    %slice3A_319 = vector.extract_strided_slice %get3A_1 {offsets = [0, 192], sizes = [512, 32], strides = [1, 1]} : vector<512x256xf32> to vector<512x32xf32>
    %get3A_320 = arith.constant 6 : index
    %get3A_321 = arith.constant 0 : index
    %get3A_322 = arith.constant 0 : index
    %get3A_323 = vector.load %arg1[%get3A_320, %get3A_321, %get3A_322] : memref<8x1024x32xf32, #tpu.memory_space<vmem>>, vector<1x1024x32xf32>
    %get3A_324 = vector.shape_cast %get3A_323 : vector<1x1024x32xf32> to vector<1024x32xf32>
    %mul3A_325 = arith.mulf %get3A_324, %get3A_324 : vector<1024x32xf32>
    %reduce_sum3A_326 = arith.constant dense<0.000000e+00> : vector<1024xf32>
    %reduce_sum3A_327 = vector.multi_reduction <add>, %mul3A_325, %reduce_sum3A_326 [1] : vector<1024x32xf32> to vector<1024xf32>
    %broadcast_in_dim3A_328 = vector.shape_cast %reduce_sum3A_327 : vector<1024xf32> to vector<1024x1xf32>
    %broadcast_in_dim3A_329 = arith.constant 1.000000e+00 : f32
    %broadcast_in_dim3A_330 = vector.broadcast %broadcast_in_dim3A_329 : f32 to vector<512x1xf32>
    %broadcast_in_dim3A_331 = arith.constant 0.000000e+00 : f32
    %broadcast_in_dim3A_332 = vector.broadcast %broadcast_in_dim3A_331 : f32 to vector<512x95xf32>
    %concatenate3A_333 = tpu.concatenate %slice3A_319, %broadcast_in_dim3A_330, %broadcast_in_dim3A_332 in 1 : vector<512x32xf32>, vector<512x1xf32>, vector<512x95xf32> -> vector<512x128xf32>
    %mul3A_334 = arith.constant -2.000000e+00 : f32
    %mul3A_335 = vector.broadcast %mul3A_334 : f32 to vector<1024x32xf32>
    %mul3A_336 = arith.mulf %mul3A_335, %get3A_324 : vector<1024x32xf32>
    %broadcast_in_dim3A_337 = arith.constant 0.000000e+00 : f32
    %broadcast_in_dim3A_338 = vector.broadcast %broadcast_in_dim3A_337 : f32 to vector<1024x95xf32>
    %concatenate3A_339 = tpu.concatenate %mul3A_336, %broadcast_in_dim3A_328, %broadcast_in_dim3A_338 in 1 : vector<1024x32xf32>, vector<1024x1xf32>, vector<1024x95xf32> -> vector<1024x128xf32>
    %dot_general3A_340 = arith.constant dense<0.000000e+00> : vector<512x1024xf32>
    %dot_general3A_341 = tpu.matmul %concatenate3A_333, %concatenate3A_339, %dot_general3A_340 {dimension_numbers = #tpu.dot_dimension_numbers<[1], [1], [0], [0], [0, 0, 1, 0], [], []>, precision = #tpu.contract_precision<fp32>, transpose_lhs_hint = false} : vector<512x128xf32>, vector<1024x128xf32>, vector<512x1024xf32> -> vector<512x1024xf32>
    %reduce_min3A_342 = arith.constant dense<0x7F800000> : vector<512xf32>
    %reduce_min3A_343 = vector.multi_reduction <minimumf>, %dot_general3A_341, %reduce_min3A_342 [1] : vector<512x1024xf32> to vector<512xf32>
    %broadcast_in_dim3A_344 = vector.shape_cast %reduce_min3A_343 : vector<512xf32> to vector<512x1xf32>
    %iota3A_345 = tpu.iota {dimensions = array<i32: 1>} : vector<512x1024xi32>
    %eq3A_346 = vector.broadcast %broadcast_in_dim3A_344 : vector<512x1xf32> to vector<512x1024xf32>
    %eq3A_347 = arith.cmpf oeq, %dot_general3A_341, %eq3A_346 : vector<512x1024xf32>
    %jit3A_348 = arith.constant 1024 : i32
    %broadcast_in_dim3A_349 = vector.broadcast %jit3A_348 : i32 to vector<512x1024xi32>
    %select_n3A_350 = arith.select %eq3A_347, %iota3A_345, %broadcast_in_dim3A_349 : vector<512x1024xi1>, vector<512x1024xi32>
    %reduce_min3A_351 = arith.constant dense<2147483647> : vector<512xi32>
    %reduce_min3A_352 = vector.multi_reduction <minsi>, %select_n3A_350, %reduce_min3A_351 [1] : vector<512x1024xi32> to vector<512xi32>
    %broadcast_in_dim3A_353 = vector.shape_cast %reduce_min3A_352 : vector<512xi32> to vector<512x1xi32>
    %swap3A_354 = arith.constant 0 : index
    %swap3A_355 = arith.constant 6 : index
    %swap3A_356 = vector.load %arg2[%swap3A_354, %swap3A_355] : memref<512x8xi32, #tpu.memory_space<vmem>>, vector<512x1xi32>
    tpu.vector_store %arg2[%swap3A_354, %swap3A_355], %broadcast_in_dim3A_353 {strides = array<i32>} : memref<512x8xi32, #tpu.memory_space<vmem>>, vector<512x1xi32>,
    %broadcast_in_dim3A_357 = vector.shape_cast %reduce_min3A_352 : vector<512xi32> to vector<512x1xi32>
    %add3A_358 = arith.constant 6144 : i32
    %add3A_359 = vector.broadcast %add3A_358 : i32 to vector<512x1xi32>
    %add3A_360 = arith.addi %broadcast_in_dim3A_357, %add3A_359 : vector<512x1xi32>
    %swap3A_361 = arith.constant 0 : index
    %swap3A_362 = arith.constant 6 : index
    %swap3A_363 = vector.load %arg3[%swap3A_361, %swap3A_362] : memref<512x8xi32, #tpu.memory_space<vmem>>, vector<512x1xi32>
    tpu.vector_store %arg3[%swap3A_361, %swap3A_362], %add3A_360 {strides = array<i32>} : memref<512x8xi32, #tpu.memory_space<vmem>>, vector<512x1xi32>,
    %mul3A_364 = arith.mulf %slice3A_319, %slice3A_319 : vector<512x32xf32>
    %reduce_sum3A_365 = arith.constant dense<0.000000e+00> : vector<512xf32>
    %reduce_sum3A_366 = vector.multi_reduction <add>, %mul3A_364, %reduce_sum3A_365 [1] : vector<512x32xf32> to vector<512xf32>
    %broadcast_in_dim3A_367 = vector.shape_cast %reduce_sum3A_366 : vector<512xf32> to vector<512x1xf32>
    %add3A_368 = arith.addf %broadcast_in_dim3A_344, %broadcast_in_dim3A_367 : vector<512x1xf32>
    %reduce_sum3A_369 = vector.shape_cast %add3A_368 : vector<512x1xf32> to vector<1x512x1xf32>
    %reduce_sum3A_370 = arith.constant dense<0.000000e+00> : vector<1xf32>
    %reduce_sum3A_371 = vector.multi_reduction <add>, %reduce_sum3A_369, %reduce_sum3A_370 [1, 2] : vector<1x512x1xf32> to vector<1xf32>
    %reduce_sum3A_372 = vector.shape_cast %reduce_sum3A_371 : vector<1xf32> to vector<1x1x1xf32>
    %reduce_sum3A_373 = vector.extract %reduce_sum3A_372[0, 0, 0] : f32 from vector<1x1x1xf32>
    %slice3A_374 = vector.extract_strided_slice %get3A_1 {offsets = [0, 224], sizes = [512, 32], strides = [1, 1]} : vector<512x256xf32> to vector<512x32xf32>
    %get3A_375 = arith.constant 7 : index
    %get3A_376 = arith.constant 0 : index
    %get3A_377 = arith.constant 0 : index
    %get3A_378 = vector.load %arg1[%get3A_375, %get3A_376, %get3A_377] : memref<8x1024x32xf32, #tpu.memory_space<vmem>>, vector<1x1024x32xf32>
    %get3A_379 = vector.shape_cast %get3A_378 : vector<1x1024x32xf32> to vector<1024x32xf32>
    %mul3A_380 = arith.mulf %get3A_379, %get3A_379 : vector<1024x32xf32>
    %reduce_sum3A_381 = arith.constant dense<0.000000e+00> : vector<1024xf32>
    %reduce_sum3A_382 = vector.multi_reduction <add>, %mul3A_380, %reduce_sum3A_381 [1] : vector<1024x32xf32> to vector<1024xf32>
    %broadcast_in_dim3A_383 = vector.shape_cast %reduce_sum3A_382 : vector<1024xf32> to vector<1024x1xf32>
    %broadcast_in_dim3A_384 = arith.constant 1.000000e+00 : f32
    %broadcast_in_dim3A_385 = vector.broadcast %broadcast_in_dim3A_384 : f32 to vector<512x1xf32>
    %broadcast_in_dim3A_386 = arith.constant 0.000000e+00 : f32
    %broadcast_in_dim3A_387 = vector.broadcast %broadcast_in_dim3A_386 : f32 to vector<512x95xf32>
    %concatenate3A_388 = tpu.concatenate %slice3A_374, %broadcast_in_dim3A_385, %broadcast_in_dim3A_387 in 1 : vector<512x32xf32>, vector<512x1xf32>, vector<512x95xf32> -> vector<512x128xf32>
    %mul3A_389 = arith.constant -2.000000e+00 : f32
    %mul3A_390 = vector.broadcast %mul3A_389 : f32 to vector<1024x32xf32>
    %mul3A_391 = arith.mulf %mul3A_390, %get3A_379 : vector<1024x32xf32>
    %broadcast_in_dim3A_392 = arith.constant 0.000000e+00 : f32
    %broadcast_in_dim3A_393 = vector.broadcast %broadcast_in_dim3A_392 : f32 to vector<1024x95xf32>
    %concatenate3A_394 = tpu.concatenate %mul3A_391, %broadcast_in_dim3A_383, %broadcast_in_dim3A_393 in 1 : vector<1024x32xf32>, vector<1024x1xf32>, vector<1024x95xf32> -> vector<1024x128xf32>
    %dot_general3A_395 = arith.constant dense<0.000000e+00> : vector<512x1024xf32>
    %dot_general3A_396 = tpu.matmul %concatenate3A_388, %concatenate3A_394, %dot_general3A_395 {dimension_numbers = #tpu.dot_dimension_numbers<[1], [1], [0], [0], [0, 0, 1, 0], [], []>, precision = #tpu.contract_precision<fp32>, transpose_lhs_hint = false} : vector<512x128xf32>, vector<1024x128xf32>, vector<512x1024xf32> -> vector<512x1024xf32>
    %reduce_min3A_397 = arith.constant dense<0x7F800000> : vector<512xf32>
    %reduce_min3A_398 = vector.multi_reduction <minimumf>, %dot_general3A_396, %reduce_min3A_397 [1] : vector<512x1024xf32> to vector<512xf32>
    %broadcast_in_dim3A_399 = vector.shape_cast %reduce_min3A_398 : vector<512xf32> to vector<512x1xf32>
    %iota3A_400 = tpu.iota {dimensions = array<i32: 1>} : vector<512x1024xi32>
    %eq3A_401 = vector.broadcast %broadcast_in_dim3A_399 : vector<512x1xf32> to vector<512x1024xf32>
    %eq3A_402 = arith.cmpf oeq, %dot_general3A_396, %eq3A_401 : vector<512x1024xf32>
    %jit3A_403 = arith.constant 1024 : i32
    %broadcast_in_dim3A_404 = vector.broadcast %jit3A_403 : i32 to vector<512x1024xi32>
    %select_n3A_405 = arith.select %eq3A_402, %iota3A_400, %broadcast_in_dim3A_404 : vector<512x1024xi1>, vector<512x1024xi32>
    %reduce_min3A_406 = arith.constant dense<2147483647> : vector<512xi32>
    %reduce_min3A_407 = vector.multi_reduction <minsi>, %select_n3A_405, %reduce_min3A_406 [1] : vector<512x1024xi32> to vector<512xi32>
    %broadcast_in_dim3A_408 = vector.shape_cast %reduce_min3A_407 : vector<512xi32> to vector<512x1xi32>
    %swap3A_409 = arith.constant 0 : index
    %swap3A_410 = arith.constant 7 : index
    %swap3A_411 = vector.load %arg2[%swap3A_409, %swap3A_410] : memref<512x8xi32, #tpu.memory_space<vmem>>, vector<512x1xi32>
    tpu.vector_store %arg2[%swap3A_409, %swap3A_410], %broadcast_in_dim3A_408 {strides = array<i32>} : memref<512x8xi32, #tpu.memory_space<vmem>>, vector<512x1xi32>,
    %broadcast_in_dim3A_412 = vector.shape_cast %reduce_min3A_407 : vector<512xi32> to vector<512x1xi32>
    %add3A_413 = arith.constant 7168 : i32
    %add3A_414 = vector.broadcast %add3A_413 : i32 to vector<512x1xi32>
    %add3A_415 = arith.addi %broadcast_in_dim3A_412, %add3A_414 : vector<512x1xi32>
    %swap3A_416 = arith.constant 0 : index
    %swap3A_417 = arith.constant 7 : index
    %swap3A_418 = vector.load %arg3[%swap3A_416, %swap3A_417] : memref<512x8xi32, #tpu.memory_space<vmem>>, vector<512x1xi32>
    tpu.vector_store %arg3[%swap3A_416, %swap3A_417], %add3A_415 {strides = array<i32>} : memref<512x8xi32, #tpu.memory_space<vmem>>, vector<512x1xi32>,
    %mul3A_419 = arith.mulf %slice3A_374, %slice3A_374 : vector<512x32xf32>
    %reduce_sum3A_420 = arith.constant dense<0.000000e+00> : vector<512xf32>
    %reduce_sum3A_421 = vector.multi_reduction <add>, %mul3A_419, %reduce_sum3A_420 [1] : vector<512x32xf32> to vector<512xf32>
    %broadcast_in_dim3A_422 = vector.shape_cast %reduce_sum3A_421 : vector<512xf32> to vector<512x1xf32>
    %add3A_423 = arith.addf %broadcast_in_dim3A_399, %broadcast_in_dim3A_422 : vector<512x1xf32>
    %reduce_sum3A_424 = vector.shape_cast %add3A_423 : vector<512x1xf32> to vector<1x512x1xf32>
    %reduce_sum3A_425 = arith.constant dense<0.000000e+00> : vector<1xf32>
    %reduce_sum3A_426 = vector.multi_reduction <add>, %reduce_sum3A_424, %reduce_sum3A_425 [1, 2] : vector<1x512x1xf32> to vector<1xf32>
    %reduce_sum3A_427 = vector.shape_cast %reduce_sum3A_426 : vector<1xf32> to vector<1x1x1xf32>
    %reduce_sum3A_428 = vector.extract %reduce_sum3A_427[0, 0, 0] : f32 from vector<1x1x1xf32>
    %add3A_429 = arith.addf %reduce_sum3A_43, %reduce_sum3A_98 : f32
    %add3A_430 = arith.addf %add3A_429, %reduce_sum3A_153 : f32
    %add3A_431 = arith.addf %add3A_430, %reduce_sum3A_208 : f32
    %add3A_432 = arith.addf %add3A_431, %reduce_sum3A_263 : f32
    %add3A_433 = arith.addf %add3A_432, %reduce_sum3A_318 : f32
    %add3A_434 = arith.addf %add3A_433, %reduce_sum3A_373 : f32
    %add3A_435 = arith.addf %add3A_434, %reduce_sum3A_428 : f32
    %div3A = arith.constant 1.310720e+05 : f32
    %div3A_436 = arith.divf %add3A_435, %div3A : f32
    %swap3A_437 = memref.load %arg4[] : memref<f32, #tpu.memory_space<smem>>
    memref.store %div3A_436, %arg4[] : memref<f32, #tpu.memory_space<smem>>
    return
  }
}

</mosaic_0001>

<sc_bundles>
// kernel: kernel.4.cloned.1.call-start
scs
__scs_entry_jumppad:
0x0: {  	(pc) =	sbr.rel $0x88, $3  }
0x1: {  	(tag) =	ssettag $0x0;
	lr =	simm.s32 $0x1  }
0x2: {  	[smem:$0x3F9F] =	sst lr;
	_ =	strace $0xD0000000  }
0x3: {  	_ = 	snop  }
0x4: {  	_ = 	snop  }
0x5: {  	_ = 	snop  }
0x6: {  	_ = 	snop  }
0x7: {  	_ = 	snop  }
__scs_overlays_trampoline_lowered:
0x8: {  	[smem:$0x3FAE] =	sst s0  }
0x9: {  	[smem:$0x3FAF] =	sst s1  }
0xa: {  	[smem:$0x3FB0] =	sst s2  }
0xb: {  	[smem:$0x3FB1] =	sst s3  }
0xc: {  	[smem:$0x3FB2] =	sst s4  }
0xd: {  	[smem:$0x3FB3] =	sst s5  }
0xe: {  	[smem:$0x3FB4] =	sst s6  }
0xf: {  	[smem:$0x3FB5] =	sst s7  }
0x10: {  	[smem:$0x3FB6] =	sst s8  }
0x11: {  	[smem:$0x3FB7] =	sst s9;
	s0 =	simm.s32 @!p0 $0x0  }
0x12: {  	s1 =	sld [smem:$0x3F9D];
	s0 =	simm.s32 @p0 $0x1  }
0x13: {  	[smem:$0x3FB8] =	sst s0;
	s0 =	simm.s32 @!p1 $0x0  }
0x14: {  	s2 =	sld [smem:$0x3F9C];
	s0 =	simm.s32 @p1 $0x1  }
0x15: {  	[smem:$0x3FB9] =	sst s0;
	s0 =	simm.s32 @!p2 $0x0  }
0x16: {  	s3 =	sld [smem:$0x3FDB];
	s0 =	simm.s32 @p2 $0x1  }
0x17: {  	s4 =	simm.s32 $0x1BF5;
	[smem:$0x3FBB] =	sst s0  }
0x18: {  	s0 =	sld [smem:$0x3F9E];
	_ =	swait.ge [sflag:s4], $0x0  }
0x19: {  	s7 =	sld [smem:$0x3F9F]  }
0x1a: {  	s8 =	sadd.s32 $0xFFFFE003, lr  }
0x1b: {  	s9 =	sadd.s32 $0xFFFFFEF7, lr;
	s5 =	simm.s32 $0xFFFFFFFF;
	p2 =	slt.u32 s8, $0xFFFFF086  }
0x1c: {  	p1 =	slt.u32 s9, $0xF7A;
	s5 =	simm.s32 @!p2 $0x0  }
0x1d: {  	s5 =	simm.s32 @p1 $0x1;
	p0 =	seq.s32 s7, s2  }
0x1e: {  	s7 =	smul.u32 @!p0 $0xF7A, s2;
	p2 =	seq.s32 @!p0 s5, $0x0  }
0x1f: {  	s9 =	smul.u32 $0xF7A, s1;
	s8 =	simm.s32 @!p0 $0x1BF5;
	p2 =	por !p2, p0  }
0x20: {  	[sflag:s8] =	ssyncset.s32 @!p0 $0xFFFFF086;
	s6 =	sadd.s32 @!p0 s3, s7;
	s7 =	simm.s32 @!p0 $0x108  }
0x21: {  	s3 =	sadd.s32 s3, s9;
	s6 =	sadd.s32 @!p0 $0x88, s6;
	s7 =	simm.s32 @p2 $0x1082  }
0x22: {  	[simem:s7], [sflag:s8] =	dma.local @!p0 [hbm:s6], $0xF7A  }
0x23: {  	s9 =	sor.u32 $0xD0000000, s2;
	s6 =	simm.s32 $0x108;
	_ =	swait.ge @!p0 [sflag:s8], $0x0  }
0x24: {  	s3 =	sadd.s32 $0x88, s3;
	s6 =	simm.s32 @!p1 $0x1082;
	[sflag:s4] =	ssyncset.s32 $0xFFFFF086  }
0x25: {  	[simem:s6], [sflag:s4] =	dma.local [hbm:s3], $0xF7A  }
0x26: {  	[smem:$0x3F9F] =	sst s1;
	(tag) =	ssettag s2;
	_ =	strace s9  }
0x27: {  	s1 =	sld [smem:$0x3FAF]  }
0x28: {  	s2 =	sld [smem:$0x3FB0]  }
0x29: {  	s4 =	sld [smem:$0x3FB2]  }
0x2a: {  	p0 =	seq.s32 s5, $0x0;
	s5 =	sld [smem:$0x3FB3]  }
0x2b: {  	s6 =	sld [smem:$0x3FB4]  }
0x2c: {  	s7 =	sld [smem:$0x3FB5]  }
0x2d: {  	s3 =	simm.s32 $0x108;
	s8 =	sld [smem:$0x3FB6]  }
0x2e: {  	s3 =	simm.s32 @!p0 $0x1082;
	s9 =	sld [smem:$0x3FB7]  }
0x2f: {  	lr =	sadd.s32 s0, s3;
	s0 =	sld [smem:$0x3FAE]  }
0x30: {  	s3 =	sld [smem:$0x3FB1]  }
0x31: {  	[smem:$0x3FBA] =	sst s10  }
0x32: {  	s10 =	sld [smem:$0x3FB8];
	_ =	sdelay $0x3  }
0x33: {  	p0 =	seq.s32 s10, $0x1;
	s10 =	sld [smem:$0x3FBA];
	_ =	sdelay $0x3  }
0x34: {  	[smem:$0x3FBA] =	sst s10  }
0x35: {  	s10 =	sld [smem:$0x3FB9];
	_ =	sdelay $0x3  }
0x36: {  	p1 =	seq.s32 s10, $0x1;
	s10 =	sld [smem:$0x3FBA];
	_ =	sdelay $0x3  }
0x37: {  	[smem:$0x3FBA] =	sst s10  }
0x38: {  	s10 =	sld [smem:$0x3FBB]  }
0x39: {  	_ = 	snop;
	(pc) =	sbr.ind lr, $3  }
0x3a: {  	_ = 	snop  }
0x3b: {  	_ = 	snop  }
0x3c: {  	p2 =	seq.s32 s10, $0x1;
	s10 =	sld [smem:$0x3FBA]  }
0x3d: {  	_ =	shalt  }
0x3e: {  	_ =	shalt  }
0x3f: {  	_ =	shalt  }
0x40: {  	_ =	shalt  }
0x41: {  	_ =	shalt  }
0x42: {  	_ =	shalt  }
0x43: {  	_ =	shalt  }
0x44: {  	_ =	shalt  }
0x45: {  	_ =	shalt  }
0x46: {  	_ =	shalt  }
0x47: {  	_ =	shalt  }
0x48: {  	_ =	shalt  }
0x49: {  	_ =	shalt  }
0x4a: {  	_ =	shalt  }
0x4b: {  	_ =	shalt  }
0x4c: {  	_ =	shalt  }
0x4d: {  	_ =	shalt  }
0x4e: {  	_ =	shalt  }
0x4f: {  	_ =	shalt  }
0x50: {  	_ =	shalt  }
0x51: {  	_ =	shalt  }
0x52: {  	_ =	shalt  }
0x53: {  	_ =	shalt  }
0x54: {  	_ =	shalt  }
0x55: {  	_ =	shalt  }
0x56: {  	_ =	shalt  }
0x57: {  	_ =	shalt  }
0x58: {  	_ =	shalt  }
0x59: {  	_ =	shalt  }
0x5a: {  	_ =	shalt  }
0x5b: {  	_ =	shalt  }
0x5c: {  	_ =	shalt  }
0x5d: {  	_ =	shalt  }
0x5e: {  	_ =	shalt  }
0x5f: {  	_ =	shalt  }
0x60: {  	_ =	shalt  }
0x61: {  	_ =	shalt  }
0x62: {  	_ =	shalt  }
0x63: {  	_ =	shalt  }
0x64: {  	_ =	shalt  }
0x65: {  	_ =	shalt  }
0x66: {  	_ =	shalt  }
0x67: {  	_ =	shalt  }
0x68: {  	_ =	shalt  }
0x69: {  	_ =	shalt  }
0x6a: {  	_ =	shalt  }
0x6b: {  	_ =	shalt  }
0x6c: {  	_ =	shalt  }
0x6d: {  	_ =	shalt  }
0x6e: {  	_ =	shalt  }
0x6f: {  	_ =	shalt  }
0x70: {  	_ =	shalt  }
0x71: {  	_ =	shalt  }
0x72: {  	_ =	shalt  }
0x73: {  	_ =	shalt  }
0x74: {  	_ =	shalt  }
0x75: {  	_ =	shalt  }
0x76: {  	_ =	shalt  }
0x77: {  	_ =	shalt  }
0x78: {  	_ =	shalt  }
0x79: {  	_ =	shalt  }
0x7a: {  	_ =	shalt  }
0x7b: {  	_ =	shalt  }
0x7c: {  	_ =	shalt  }
0x7d: {  	_ =	shalt  }
0x7e: {  	_ =	shalt  }
0x7f: {  	_ =	shalt  }
0x80: {  	_ =	shalt  }
0x81: {  	_ =	shalt  }
0x82: {  	_ =	shalt  }
0x83: {  	_ =	shalt  }
0x84: {  	_ =	shalt  }
0x85: {  	_ =	shalt  }
0x86: {  	_ =	shalt  }
0x87: {  	_ =	shalt  }
.Lfunc_end0:
.L_simem_size_0:
called_computation_lowered:
.L_overlay_start_0:
0x88: {  	s2 =	sld [smem:$0x3FD9]  }
0x89: {  	s3 =	sld [smem:$0x3FFE];
	_ =	sdelay $0x1  }
0x8a: {  	s1 =	srdreg.scid  }
0x8b: {  	s0 =	sand.u32 $0x1, s1  }
0x8c: {  	s14 =	sshll.u32 s0, $0xA;
	s2 =	sadd.s32 s3, s2  }
0x8d: {  	s2 =	sadd.s32 s2, s14  }
0x8e: {  	[smem:$0x3FC6] =	sst s2  }
0x8f: {  	_ = 	snop  }
0x90: {  	s2 =	sld [smem:$0x3FD0];
	_ =	sdelay $0x2  }
0x91: {  	s15 =	simm.s32 $0xA;
	s4 =	simm.s32 $0x10  }
0x92: {  	[smem:s4], [sflag:s15] =	dma.local [hbm:s2], $0x1  }
0x93: {  	_ =	swait.eq [sflag:s15], $0x1  }
0x94: {  	[sflag:s15] =	ssyncset.done $0x0  }
0x95: {  	[sflag:s15] =	ssyncadd.s32 $0xFFFFFFFF  }
0x96: {  	s16 =	sld [smem:$0x10];
	(tm) =	ssettm $0x1  }
0x97: {  	s17 =	sld [smem:$0x3FFB];
	_ =	sdelay $0x3  }
0x98: {  	_ =	strace s17  }
0x99: {  	s3 =	sld [smem:$0x3FFC];
	_ =	sdelay $0x3  }
0x9a: {  	_ =	strace s3  }
0x9b: {  	s3 =	sld [smem:$0x3FFD];
	_ =	sdelay $0x3  }
0x9c: {  	_ =	strace s3  }
0x9d: {  	_ =	strace $0x8FFFFFFF  }
0x9e: {  	s18 =	sld [smem:$0x3FDB];
	_ =	sdelay $0x1  }
0x9f: {  	s19 =	simm.s32 $_scs_section_size  }
0xa0: {  	s5 =	simm.s32 $_size__tile_overlayer_lowered;
	s6 =	simm.s32 $_tile_overlayer_lowered  }
0xa1: {  	s22 =	simm.s32 $0x1BFF;
	s21 =	sshll.u32 s6, $0x1;
	s3 =	sadd.s32 s19, s18  }
0xa2: {  	s7 =	simm.s32 $0x0;
	s20 =	sshll.u32 s5, $0x1;
	s5 =	sadd.s32 s21, s3  }
0xa3: {  	[timem:s7], [sflag:s22] =	dma.local [hbm:s5], s20  }
0xa4: {  	_ =	swait.ge [sflag:s22], s20  }
0xa5: {  	s4 =	ssub.s32 $0x0, s20;
	[sflag:s22] =	ssyncset.done $0x0  }
0xa6: {  	[sflag:s22] =	ssyncadd.s32 s4;
	_ =	sdelay $0x1  }
0xa7: {  	s23 =	simm.s32 $0x1B8B  }
0xa8: {  	_ =	swait.ge [sflag:s23], $0x1  }
0xa9: {  	[sflag:s23] =	ssyncset.done $0x0  }
0xaa: {  	s25 =	simm.s32 $0x1B8E;
	s24 =	sld [smem:$0x3FFE];
	[sflag:s23] =	ssyncadd.s32 $0xFFFFFFFF  }
0xab: {  	s26 =	simm.s32 $execute0_lowered;
	[smem:$0x3FD2] =	sst s25  }
0xac: {  	s5 =	sshll.u32 s26, $0x1;
	_ =	strace $0x80000046;
	[dreg:$0x1] =	wrdreg $0xFFFFFFFF  }
0xad: {  	s28 =	simm.s32 $_size_execute0_lowered;
	s3 =	sadd.s32 s3, s5;
	[dreg:$0x0] =	wrdreg $0x0  }
0xae: {  	s5 =	sshll.u32 s28, $0x1;
	[dreg:$0x2] =	wrdreg s3  }
0xaf: {  	[dreg:$0x3] =	wrdreg s5  }
0xb0: {  	[dreg:$0x4] =	wrdreg $0xC0  }
0xb1: {  	_ =	task [dreg:s7], $0x5FFFF  }
0xb2: {  	[dreg:$0x1] =	wrdreg $0xFFFFFFFF  }
0xb3: {  	[dreg:$0x0] =	wrdreg $0x60  }
0xb4: {  	[dreg:$0x2] =	wrdreg s24  }
0xb5: {  	[dreg:$0x3] =	wrdreg s16  }
0xb6: {  	[dreg:$0x4] =	wrdreg $0x9  }
0xb7: {  	_ =	task.clear_ibuf [dreg:s7], $0x5FFFF;
	_ =	strace $0x90000046  }
0xb8: {  	s29 =	simm.s32 $0x9;
	_ =	strace $0x80000048  }
0xb9: {  	_ =	swait.ge [sflag:s29], $0x1  }
0xba: {  	[sflag:s29] =	ssyncadd.s32 $0xFFFFFFFF  }
0xbb: {  	_ =	strace $0x90000048  }
0xbc: {  	_ =	sfence  }
0xbd: {  	s30 =	sld [smem:$0x0];
	_ =	sdelay $0x2  }
0xbe: {  	s31 =	sshll.u32 s1, $0xD;
	s1 =	sshrl.u32 s1, $0x2  }
0xbf: {  	s3 =	sand.u32 $0x4000, s31;
	s1 =	sadd.s32 s1, s30  }
0xc0: {  	s0 =	sor.u32 s3, s0;
	s1 =	sshll.u32 s1, $0x11  }
0xc1: {  	s0 =	sor.u32 s1, s0  }
0xc2: {  	s0 =	sadd.s32 $0x8F2B, s0  }
0xc3: {  	[sflag:s0] =	ssyncadd.remote.s32 $0x1  }
0xc4: {  	_ =	sfence.sel $0xFFFF  }
0xc5: {  	[dreg:$0x0] =	wrdreg $0xFFFFFFFF;
	(pc) =	sbr.abs _section_cstart, $3  }
0xc6: {  	[dreg:$0x1] =	wrdreg $0xFFFFFFFF  }
0xc7: {  	_ =	task.clear_ibuf [dreg:s7], $0x2FFFF;
	_ =	strace $0x9FFFFFFF  }
0xc8: {  	(tm) =	ssettm $0x7FFFFFFF  }
0xc9: {  	_ =	shalt  }
tec
execute0_lowered:
.L_overlay_start_1:
0x0: {  	(tag) =	ssettag $0x1  }
0x1: {  	s1 =	srdreg.scid  }
0x2: {  	s0 =	stileid.u32;
	s6 =	sand.u32 $0x1, s1  }
0x3: {  	s5 =	rddreg [dreg:$0x0];
	s30 =	sshll.u32 s0, $0x8;
	s2 =	sshll.u32 s6, $0x7  }
0x4: {  	s8 =	rddreg [dreg:$0x1];
	s9 =	sor.u32 s2, s30  }
0x5: {  	s1 =	rddreg [dreg:$0x2];
	s2 =	simm.s32 $0x0;
	s3 =	sshrl.u32 s9, $0x3  }
0x6: {  	s10 =	ssub.s32 $0x2, s6;
	[smem:$0x7FF] =	sst s2;
	s3 =	sadd.s32 s3, s5  }
0x7: {  	_ =	strace $0x80000047;
	s4 =	sadd.s32 $0x600, s3;
	s3 =	simm.s32 $0x2  }
0x8: {  	[tilespmem:s2], [sflag:$0x2] =	stream.linear.gather [hbm4b:s4+s2], $0x80, $0x38;
	[tilespmem:$0x1080] =	vst v63  }
0x9: {  	s7 =	simm.s32 $0x1;
	s11 =	sshrl.u32 s10, $0x1;
	_ =	swait.ge [sflag:s3], $0x80  }
0xa: {  	s6 =	simm.s32 $0x80;
	s10 =	ssub.s32 s10, s11;
	[sflag:s3] =	ssyncset.done $0x0  }
0xb: {  	s5 =	sadd.s32 $0x800, s5;
	s31 =	smax.u32 s10, $0x1;
	[sflag:s3] =	ssyncadd.s32 $0xFFFFFF80  }
0xc: {  	[tilespmem:s6], [sflag:$0x1] =	stream.indirect.gather [hbm4b:s5+s6], $0x20, s2, s6, $0xb8;
	[tilespmem:$0x1080] =	vst v63  }
0xd: {  	p0 =	sne.s32 s31, $0x1;
	_ =	swait.ge [sflag:s7], $0x1000  }
.Ltmp0:
0xe: {  	s9 =	sshll.u32 s9, $0x2;
	[sflag:s7] =	ssyncset.done $0x0;
	(pc) =	sbr.rel @!p0 .LBB2_2-.Ltmp0, $4  }
0xf: {  	s8 =	sadd.s32 s8, s9;
	[sflag:s7] =	ssyncadd.s32 $0xFFFFF000  }
0x10: {  	[hbm4b:s8+s2] =	stream.linear.scatter [tilespmem:s6], [sflag:$0x2], $0x1000, $0x38;
	[tilespmem:$0x1080] =	vst v63  }
0x11: {  	_ =	swait.ge [sflag:s3], $0x1000  }
0x12: {  	s9 =	sadd.s32 $0xFFFFFFFF, s31;
	[sflag:s3] =	ssyncset.done $0x0  }
.LBB2_1:
0x13: {  	p0 =	sne.s32 s9, $0x1;
	s9 =	sadd.s32 $0xFFFFFFFF, s9;
	[sflag:s3] =	ssyncadd.s32 $0xFFFFF000  }
0x14: {  	[tilespmem:s2], [sflag:$0x2] =	stream.linear.gather [hbm4b:s4+s2], $0x80, $0x38;
	[tilespmem:$0x1080] =	vst v63  }
0x15: {  	_ =	swait.ge [sflag:s3], $0x80  }
0x16: {  	[sflag:s3] =	ssyncset.done $0x0  }
0x17: {  	[sflag:s3] =	ssyncadd.s32 $0xFFFFFF80  }
0x18: {  	[tilespmem:s6], [sflag:$0x1] =	stream.indirect.gather [hbm4b:s5+s6], $0x20, s2, s6, $0xb8;
	[tilespmem:$0x1080] =	vst v63  }
0x19: {  	_ =	swait.ge [sflag:s7], $0x1000  }
.Ltmp1:
0x1a: {  	[sflag:s7] =	ssyncset.done $0x0;
	(pc) =	sbr.rel @p0 .LBB2_1-.Ltmp1, $4  }
0x1b: {  	[sflag:s7] =	ssyncadd.s32 $0xFFFFF000  }
0x1c: {  	[hbm4b:s8+s2] =	stream.linear.scatter [tilespmem:s6], [sflag:$0x2], $0x1000, $0x38;
	[tilespmem:$0x1080] =	vst v63  }
0x1d: {  	_ =	swait.ge [sflag:s3], $0x1000  }
0x1e: {  	[sflag:s3] =	ssyncset.done $0x0  }
.LBB2_2:
0x1f: {  	[sflag:s3] =	ssyncadd.s32 $0xFFFFF000  }
0x20: {  	_ =	sfence.sel $0x180000  }
0x21: {  	[bflag:$0x0] =	sbarrier.arrive $0xFFFF  }
0x22: {  	p0 =	sne.s32 s0, $0x0;
	_ =	strace $0x90000047  }
0x23: {  	s0 =	sadd.s32 @!p0 $0x100000, s1;
	[bflag:$0x2] =	sbarrier.arrive $0xFFFF  }
0x24: {  	[sflag:s0] =	ssyncadd.tile.s32 @!p0 $0x1;
	_ =	shalt  }
.Lfunc_end2:
_tile_overlayer_lowered:
.L_overlay_start_2:
0x25: {  	(tag) =	ssettag $0x2  }
0x26: {  	s0 =	rddreg [dreg:$0x0];
	s2 =	stileid.u32  }
0x27: {  	s1 =	rddreg [dreg:$0x1];
	p0 =	sne.s32 s2, $0x0  }
0x28: {  	s3 =	rddreg [dreg:$0x2];
	[bflag:$0x3] =	sbarrier.arrive $0xFFFF;
	s2 =	simm.s32 @!p0 $0x1C02  }
0x29: {  	[timem:s3], [sflag:s2] =	dma.local @!p0 [hbm:s0], s1  }
0x2a: {  	s0 =	simm.s32 @!p0 $0x2  }
0x2b: {  	_ =	swait.ge @!p0 [sflag:s0], s1  }
0x2c: {  	s1 =	ssub.s32 @!p0 $0x0, s1;
	[sflag:s0] =	ssyncset.done @!p0 $0x0  }
0x2d: {  	[sflag:s0] =	ssyncadd.s32 @!p0 s1  }
0x2e: {  	[bflag:$0x3] =	sbarrier.arrive $0xFFFF  }
0x2f: {  	_ =	shalt  }

</sc_bundles>
